<compile_context>
chip_gen: v7x
topology: tpu7x:2x2x1
jax: 0.10.2.dev20260603
libtpu: 0.0.44.dev20260713+nightly
codegen_flags: <defaults>
</compile_context>

<pallas_src>
import functools

import jax
import jax.numpy as jnp
from jax import lax
from jax.experimental import pallas as pl
from jax.experimental.pallas import tpu as pltpu
from jax.experimental.pallas import tpu_sc as plsc

CHUNK = 128


@functools.lru_cache(maxsize=None)
def _build(BATCH, SEQ, V, D):
    info = plsc.get_sparse_core_info()
    nw = info.num_cores * info.num_subcores
    b_per_w = (BATCH * SEQ) // nw
    n_chunks = b_per_w // CHUNK
    w_per_row = SEQ // b_per_w
    mesh = plsc.VectorSubcoreMesh(core_axis_name="c", subcore_axis_name="s")

    @functools.partial(
        pl.kernel,
        mesh=mesh,
        out_type=jax.ShapeDtypeStruct((BATCH, SEQ, D), jnp.float32),
        scratch_types=[
            pltpu.VMEM((b_per_w,), jnp.int32),
            pltpu.VMEM((n_chunks, CHUNK, D), jnp.float32),
            pltpu.SemaphoreType.DMA((n_chunks,)),
            pltpu.SemaphoreType.DMA((n_chunks,)),
            pltpu.SemaphoreType.DMA,
        ],
    )
    def gather_kernel(
        idx_hbm, table_hbm, out_hbm, idx_v, rows_v, isem, gsem, osem
    ):
        wid = lax.axis_index("s") * info.num_cores + lax.axis_index("c")
        row = wid // w_per_row
        col = (wid % w_per_row) * b_per_w
        idx_loads = [
            pltpu.async_copy(
                idx_hbm.at[row, pl.ds(col + j * CHUNK, CHUNK)],
                idx_v.at[pl.ds(j * CHUNK, CHUNK)],
                isem.at[j],
            )
            for j in range(n_chunks)
        ]
        gathers = []
        for j in range(n_chunks):
            idx_loads[j].wait()
            gathers.append(
                pltpu.async_copy(
                    table_hbm.at[idx_v.at[pl.ds(j * CHUNK, CHUNK)]],
                    rows_v.at[j],
                    gsem.at[j],
                )
            )
        writes = []
        for j in range(n_chunks):
            gathers[j].wait()
            writes.append(
                pltpu.async_copy(
                    rows_v.at[j],
                    out_hbm.at[row, pl.ds(col + j * CHUNK, CHUNK)],
                    osem,
                )
            )
        for w in writes:
            w.wait()

    return gather_kernel


def kernel(x, table):
    BATCH, SEQ = x.shape
    V, D = table.shape
    return _build(BATCH, SEQ, V, D)(x.astype(jnp.int32), table)

# --- scband reference (transcript-rebuilt; emitter-appended) ---
"""Pipeline reference for scband-transformer-token-embed-74285754351863 (READ-ONLY COPY).

The authoritative reference and input builder live on the scoring server;
editing this copy changes nothing except your own understanding.
"""

import jax, jax.numpy as jnp
import numpy as np

VOCAB = 100000
EMBED_DIM = 128
BATCH = 4
SEQ = 4096

def setup_inputs(seed: int = 0) -> dict:
    key = jax.random.key(seed)
    k_idx, k_tab = jax.random.split(key)
    x = jax.random.randint(k_idx, (BATCH, SEQ), 0, VOCAB, dtype=jnp.int64 if jax.config.read('jax_enable_x64') else jnp.int32)
    table = jax.random.normal(k_tab, (VOCAB, EMBED_DIM), dtype=jnp.float32) * 0.02
    return {"x": x, "table": table}

def reference(x, table):
    # nn.Embedding lookup: h = tokens_embeddings(x)
    h = jnp.take(table, x, axis=0)
    return h

if __name__ == "__main__":
    import jax
    _d = setup_inputs()
    print(jax.jit(kernel)(*tuple(_d.values())))

</pallas_src>

<mosaic_0001>
#map = affine_map<(d0, d1) -> (0, 0)>
#map1 = affine_map<(d0, d1) -> (0, 0, 0)>
module attributes {stable_mosaic.version = 14 : i64} {
  func.func @gather_kernel(%arg0: i32, %arg1: i32, %arg2: memref<4x4096xi32, #tpu.memory_space<hbm>>, %arg3: memref<100000x128xf32, #tpu.memory_space<hbm>>, %arg4: memref<4x4096x128xf32, #tpu.memory_space<hbm>>, %arg5: memref<512xi32, #tpu.memory_space<vmem>>, %arg6: memref<4x128x128xf32, #tpu.memory_space<vmem>>, %arg7: memref<4x!tpu.dma_semaphore, #tpu.memory_space<semaphore_mem>>, %arg8: memref<4x!tpu.dma_semaphore, #tpu.memory_space<semaphore_mem>>, %arg9: memref<!tpu.dma_semaphore, #tpu.memory_space<semaphore_mem>>) attributes {dimension_semantics = [#tpu.dimension_semantics<core_parallel>, #tpu.dimension_semantics<subcore_parallel>], iteration_bounds = array<i64: 2, 16>, scalar_prefetch = 0 : i64, scratch_operands = 5 : i64, tpu.core_type = #tpu.core_type<sc_vector_subcore>, window_params = [{transform_indices = #map}, {transform_indices = #map}, {transform_indices = #map1}]} {
    %mul3A = arith.constant 2 : i32
    %mul3A_0 = arith.muli %arg1, %mul3A : i32
    %add3A = arith.addi %mul3A_0, %arg0 : i32
    %jit3A = arith.constant 8 : i32
    %div3A = arith.divsi %add3A, %jit3A : i32
    %sign3A = arith.constant 0 : i32
    %sign3A_1 = arith.cmpi sgt, %add3A, %sign3A : i32
    %sign3A_2 = arith.extui %sign3A_1 : i1 to i32
    %sign3A_3 = arith.constant 0 : i32
    %sign3A_4 = arith.cmpi slt, %add3A, %sign3A_3 : i32
    %sign3A_5 = arith.extui %sign3A_4 : i1 to i32
    %sign3A_6 = arith.subi %sign3A_2, %sign3A_5 : i32
    %sign3A_7 = arith.constant 0 : i32
    %sign3A_8 = arith.cmpi sgt, %jit3A, %sign3A_7 : i32
    %sign3A_9 = arith.extui %sign3A_8 : i1 to i32
    %sign3A_10 = arith.constant 0 : i32
    %sign3A_11 = arith.cmpi slt, %jit3A, %sign3A_10 : i32
    %sign3A_12 = arith.extui %sign3A_11 : i1 to i32
    %sign3A_13 = arith.subi %sign3A_9, %sign3A_12 : i32
    %ne3A = arith.cmpi ne, %sign3A_6, %sign3A_13 : i32
    %rem3A = arith.remsi %add3A, %jit3A : i32
    %ne3A_14 = arith.constant 0 : i32
    %ne3A_15 = arith.cmpi ne, %rem3A, %ne3A_14 : i32
    %and3A = arith.andi %ne3A, %ne3A_15 : i1
    %sub3A = arith.constant 1 : i32
    %sub3A_16 = arith.subi %div3A, %sub3A : i32
    %select_n3A = arith.select %and3A, %sub3A_16, %div3A : i32
    %jit3A_17 = arith.constant 8 : i32
    %eq3A = arith.constant 0 : i32
    %eq3A_18 = arith.cmpi eq, %jit3A_17, %eq3A : i32
    %jit3A_19 = arith.constant 1 : i32
    %select_n3A_20 = arith.select %eq3A_18, %jit3A_19, %jit3A_17 : i32
    %rem3A_21 = arith.remsi %add3A, %select_n3A_20 : i32
    %ne3A_22 = arith.constant 0 : i32
    %ne3A_23 = arith.cmpi ne, %rem3A_21, %ne3A_22 : i32
    %lt3A = arith.constant 0 : i32
    %lt3A_24 = arith.cmpi slt, %rem3A_21, %lt3A : i32
    %lt3A_25 = arith.constant 0 : i32
    %lt3A_26 = arith.cmpi slt, %select_n3A_20, %lt3A_25 : i32
    %ne3A_27 = arith.xori %lt3A_24, %lt3A_26 : i1
    %and3A_28 = arith.andi %ne3A_27, %ne3A_23 : i1
    %add3A_29 = arith.addi %rem3A_21, %select_n3A_20 : i32
    %select_n3A_30 = arith.select %and3A_28, %add3A_29, %rem3A_21 : i32
    %mul3A_31 = arith.constant 512 : i32
    %mul3A_32 = arith.muli %select_n3A_30, %mul3A_31 : i32
    %add3A_33 = arith.constant 0 : i32
    %add3A_34 = arith.addi %mul3A_32, %add3A_33 : i32
    %dma_start3A = arith.constant 0 : i32
    %dma_start3A_35 = arith.constant 0 : i32
    %dma_start3A_36 = tpu.memref_slice %arg5[%dma_start3A_35] : memref<512xi32, #tpu.memory_space<vmem>> -> memref<128xi32, #tpu.memory_space<vmem>>
    %dma_start3A_37 = tpu.memref_slice %arg2[%select_n3A, %add3A_34] : memref<4x4096xi32, #tpu.memory_space<hbm>> -> memref<1x128xi32, #tpu.memory_space<hbm>>
    %dma_start3A_38 = tpu.memref_squeeze %dma_start3A_37 : memref<1x128xi32, #tpu.memory_space<hbm>> -> memref<128xi32, #tpu.memory_space<hbm>>
    %dma_start3A_39 = tpu.memref_slice %arg7[%dma_start3A] : memref<4x!tpu.dma_semaphore, #tpu.memory_space<semaphore_mem>> -> memref<1x!tpu.dma_semaphore, #tpu.memory_space<semaphore_mem>>
    %dma_start3A_40 = tpu.memref_squeeze %dma_start3A_39 : memref<1x!tpu.dma_semaphore, #tpu.memory_space<semaphore_mem>> -> memref<!tpu.dma_semaphore, #tpu.memory_space<semaphore_mem>>
    %dma_start3A_41 = arith.constant 0 : i32
    %dma_start3A_42 = tpu.memref_slice %arg5[%dma_start3A_41] : memref<512xi32, #tpu.memory_space<vmem>> -> memref<128xi32, #tpu.memory_space<vmem>>
    %dma_start3A_43 = tpu.memref_slice %arg2[%select_n3A, %add3A_34] : memref<4x4096xi32, #tpu.memory_space<hbm>> -> memref<1x128xi32, #tpu.memory_space<hbm>>
    %dma_start3A_44 = tpu.memref_squeeze %dma_start3A_43 : memref<1x128xi32, #tpu.memory_space<hbm>> -> memref<128xi32, #tpu.memory_space<hbm>>
    tpu.enqueue_dma source(%dma_start3A_44 : memref<128xi32, #tpu.memory_space<hbm>>) target(%dma_start3A_42 : memref<128xi32, #tpu.memory_space<vmem>>) target_semaphore(%dma_start3A_40 : memref<!tpu.dma_semaphore, #tpu.memory_space<semaphore_mem>>)
    %add3A_45 = arith.constant 128 : i32
    %add3A_46 = arith.addi %mul3A_32, %add3A_45 : i32
    %dma_start3A_47 = arith.constant 1 : i32
    %dma_start3A_48 = arith.constant 128 : i32
    %dma_start3A_49 = tpu.memref_slice %arg5[%dma_start3A_48] : memref<512xi32, #tpu.memory_space<vmem>> -> memref<128xi32, #tpu.memory_space<vmem>>
    %dma_start3A_50 = tpu.memref_slice %arg2[%select_n3A, %add3A_46] : memref<4x4096xi32, #tpu.memory_space<hbm>> -> memref<1x128xi32, #tpu.memory_space<hbm>>
    %dma_start3A_51 = tpu.memref_squeeze %dma_start3A_50 : memref<1x128xi32, #tpu.memory_space<hbm>> -> memref<128xi32, #tpu.memory_space<hbm>>
    %dma_start3A_52 = tpu.memref_slice %arg7[%dma_start3A_47] : memref<4x!tpu.dma_semaphore, #tpu.memory_space<semaphore_mem>> -> memref<1x!tpu.dma_semaphore, #tpu.memory_space<semaphore_mem>>
    %dma_start3A_53 = tpu.memref_squeeze %dma_start3A_52 : memref<1x!tpu.dma_semaphore, #tpu.memory_space<semaphore_mem>> -> memref<!tpu.dma_semaphore, #tpu.memory_space<semaphore_mem>>
    %dma_start3A_54 = arith.constant 128 : i32
    %dma_start3A_55 = tpu.memref_slice %arg5[%dma_start3A_54] : memref<512xi32, #tpu.memory_space<vmem>> -> memref<128xi32, #tpu.memory_space<vmem>>
    %dma_start3A_56 = tpu.memref_slice %arg2[%select_n3A, %add3A_46] : memref<4x4096xi32, #tpu.memory_space<hbm>> -> memref<1x128xi32, #tpu.memory_space<hbm>>
    %dma_start3A_57 = tpu.memref_squeeze %dma_start3A_56 : memref<1x128xi32, #tpu.memory_space<hbm>> -> memref<128xi32, #tpu.memory_space<hbm>>
    tpu.enqueue_dma source(%dma_start3A_57 : memref<128xi32, #tpu.memory_space<hbm>>) target(%dma_start3A_55 : memref<128xi32, #tpu.memory_space<vmem>>) target_semaphore(%dma_start3A_53 : memref<!tpu.dma_semaphore, #tpu.memory_space<semaphore_mem>>)
    %add3A_58 = arith.constant 256 : i32
    %add3A_59 = arith.addi %mul3A_32, %add3A_58 : i32
    %dma_start3A_60 = arith.constant 2 : i32
    %dma_start3A_61 = arith.constant 256 : i32
    %dma_start3A_62 = tpu.memref_slice %arg5[%dma_start3A_61] : memref<512xi32, #tpu.memory_space<vmem>> -> memref<128xi32, #tpu.memory_space<vmem>>
    %dma_start3A_63 = tpu.memref_slice %arg2[%select_n3A, %add3A_59] : memref<4x4096xi32, #tpu.memory_space<hbm>> -> memref<1x128xi32, #tpu.memory_space<hbm>>
    %dma_start3A_64 = tpu.memref_squeeze %dma_start3A_63 : memref<1x128xi32, #tpu.memory_space<hbm>> -> memref<128xi32, #tpu.memory_space<hbm>>
    %dma_start3A_65 = tpu.memref_slice %arg7[%dma_start3A_60] : memref<4x!tpu.dma_semaphore, #tpu.memory_space<semaphore_mem>> -> memref<1x!tpu.dma_semaphore, #tpu.memory_space<semaphore_mem>>
    %dma_start3A_66 = tpu.memref_squeeze %dma_start3A_65 : memref<1x!tpu.dma_semaphore, #tpu.memory_space<semaphore_mem>> -> memref<!tpu.dma_semaphore, #tpu.memory_space<semaphore_mem>>
    %dma_start3A_67 = arith.constant 256 : i32
    %dma_start3A_68 = tpu.memref_slice %arg5[%dma_start3A_67] : memref<512xi32, #tpu.memory_space<vmem>> -> memref<128xi32, #tpu.memory_space<vmem>>
    %dma_start3A_69 = tpu.memref_slice %arg2[%select_n3A, %add3A_59] : memref<4x4096xi32, #tpu.memory_space<hbm>> -> memref<1x128xi32, #tpu.memory_space<hbm>>
    %dma_start3A_70 = tpu.memref_squeeze %dma_start3A_69 : memref<1x128xi32, #tpu.memory_space<hbm>> -> memref<128xi32, #tpu.memory_space<hbm>>
    tpu.enqueue_dma source(%dma_start3A_70 : memref<128xi32, #tpu.memory_space<hbm>>) target(%dma_start3A_68 : memref<128xi32, #tpu.memory_space<vmem>>) target_semaphore(%dma_start3A_66 : memref<!tpu.dma_semaphore, #tpu.memory_space<semaphore_mem>>)
    %add3A_71 = arith.constant 384 : i32
    %add3A_72 = arith.addi %mul3A_32, %add3A_71 : i32
    %dma_start3A_73 = arith.constant 3 : i32
    %dma_start3A_74 = arith.constant 384 : i32
    %dma_start3A_75 = tpu.memref_slice %arg5[%dma_start3A_74] : memref<512xi32, #tpu.memory_space<vmem>> -> memref<128xi32, #tpu.memory_space<vmem>>
    %dma_start3A_76 = tpu.memref_slice %arg2[%select_n3A, %add3A_72] : memref<4x4096xi32, #tpu.memory_space<hbm>> -> memref<1x128xi32, #tpu.memory_space<hbm>>
    %dma_start3A_77 = tpu.memref_squeeze %dma_start3A_76 : memref<1x128xi32, #tpu.memory_space<hbm>> -> memref<128xi32, #tpu.memory_space<hbm>>
    %dma_start3A_78 = tpu.memref_slice %arg7[%dma_start3A_73] : memref<4x!tpu.dma_semaphore, #tpu.memory_space<semaphore_mem>> -> memref<1x!tpu.dma_semaphore, #tpu.memory_space<semaphore_mem>>
    %dma_start3A_79 = tpu.memref_squeeze %dma_start3A_78 : memref<1x!tpu.dma_semaphore, #tpu.memory_space<semaphore_mem>> -> memref<!tpu.dma_semaphore, #tpu.memory_space<semaphore_mem>>
    %dma_start3A_80 = arith.constant 384 : i32
    %dma_start3A_81 = tpu.memref_slice %arg5[%dma_start3A_80] : memref<512xi32, #tpu.memory_space<vmem>> -> memref<128xi32, #tpu.memory_space<vmem>>
    %dma_start3A_82 = tpu.memref_slice %arg2[%select_n3A, %add3A_72] : memref<4x4096xi32, #tpu.memory_space<hbm>> -> memref<1x128xi32, #tpu.memory_space<hbm>>
    %dma_start3A_83 = tpu.memref_squeeze %dma_start3A_82 : memref<1x128xi32, #tpu.memory_space<hbm>> -> memref<128xi32, #tpu.memory_space<hbm>>
    tpu.enqueue_dma source(%dma_start3A_83 : memref<128xi32, #tpu.memory_space<hbm>>) target(%dma_start3A_81 : memref<128xi32, #tpu.memory_space<vmem>>) target_semaphore(%dma_start3A_79 : memref<!tpu.dma_semaphore, #tpu.memory_space<semaphore_mem>>)
    %dma_wait3A = arith.constant 0 : i32
    %dma_wait3A_84 = arith.constant 0 : i32
    %dma_wait3A_85 = tpu.memref_slice %arg5[%dma_wait3A_84] : memref<512xi32, #tpu.memory_space<vmem>> -> memref<128xi32, #tpu.memory_space<vmem>>
    %dma_wait3A_86 = tpu.memref_slice %arg2[%select_n3A, %add3A_34] : memref<4x4096xi32, #tpu.memory_space<hbm>> -> memref<1x128xi32, #tpu.memory_space<hbm>>
    %dma_wait3A_87 = tpu.memref_squeeze %dma_wait3A_86 : memref<1x128xi32, #tpu.memory_space<hbm>> -> memref<128xi32, #tpu.memory_space<hbm>>
    %dma_wait3A_88 = tpu.memref_slice %arg7[%dma_wait3A] : memref<4x!tpu.dma_semaphore, #tpu.memory_space<semaphore_mem>> -> memref<1x!tpu.dma_semaphore, #tpu.memory_space<semaphore_mem>>
    %dma_wait3A_89 = tpu.memref_squeeze %dma_wait3A_88 : memref<1x!tpu.dma_semaphore, #tpu.memory_space<semaphore_mem>> -> memref<!tpu.dma_semaphore, #tpu.memory_space<semaphore_mem>>
    %dma_wait3A_90 = arith.constant 0 : i32
    %dma_wait3A_91 = tpu.memref_slice %arg5[%dma_wait3A_90] : memref<512xi32, #tpu.memory_space<vmem>> -> memref<128xi32, #tpu.memory_space<vmem>>
    %dma_wait3A_92 = tpu.memref_slice %arg2[%select_n3A, %add3A_34] : memref<4x4096xi32, #tpu.memory_space<hbm>> -> memref<1x128xi32, #tpu.memory_space<hbm>>
    %dma_wait3A_93 = tpu.memref_squeeze %dma_wait3A_92 : memref<1x128xi32, #tpu.memory_space<hbm>> -> memref<128xi32, #tpu.memory_space<hbm>>
    tpu.wait_dma2 semaphore(%dma_wait3A_89 : memref<!tpu.dma_semaphore, #tpu.memory_space<semaphore_mem>>) src(%dma_wait3A_93 : memref<128xi32, #tpu.memory_space<hbm>>) dst(%dma_wait3A_91 : memref<128xi32, #tpu.memory_space<vmem>>)
    %dma_start3A_94 = arith.constant 0 : i32
    %dma_start3A_95 = arith.constant 0 : i32
    %dma_start3A_96 = arith.constant 0 : i32
    %dma_start3A_97 = arith.constant 0 : i32
    %dma_start3A_98 = tpu.memref_slice %arg6[%dma_start3A_94, %dma_start3A_96, %dma_start3A_97] : memref<4x128x128xf32, #tpu.memory_space<vmem>> -> memref<1x128x128xf32, #tpu.memory_space<vmem>>
    %dma_start3A_99 = tpu.memref_squeeze %dma_start3A_98 : memref<1x128x128xf32, #tpu.memory_space<vmem>> -> memref<128x128xf32, #tpu.memory_space<vmem>>
    %dma_start3A_100 = arith.constant 0 : i32
    %dma_start3A_101 = tpu.memref_slice %arg5[%dma_start3A_100] : memref<512xi32, #tpu.memory_space<vmem>> -> memref<128xi32, #tpu.memory_space<vmem>>
    %dma_start3A_102 = arith.constant 0 : i32
    %dma_start3A_103 = arith.constant 0 : i32
    %dma_start3A_104 = tpu.memref_slice %arg3[%dma_start3A_102, %dma_start3A_103] : memref<100000x128xf32, #tpu.memory_space<hbm>> -> memref<100000x128xf32, #tpu.memory_space<hbm>>
    %dma_start3A_105 = tpu.memref_slice %arg8[%dma_start3A_95] : memref<4x!tpu.dma_semaphore, #tpu.memory_space<semaphore_mem>> -> memref<1x!tpu.dma_semaphore, #tpu.memory_space<semaphore_mem>>
    %dma_start3A_106 = tpu.memref_squeeze %dma_start3A_105 : memref<1x!tpu.dma_semaphore, #tpu.memory_space<semaphore_mem>> -> memref<!tpu.dma_semaphore, #tpu.memory_space<semaphore_mem>>
    tpu.enqueue_indirect_dma source(%dma_start3A_104 : memref<100000x128xf32, #tpu.memory_space<hbm>>) target(%dma_start3A_99 : memref<128x128xf32, #tpu.memory_space<vmem>>) offsets(%dma_start3A_101 : memref<128xi32, #tpu.memory_space<vmem>>) semaphore(%dma_start3A_106 : memref<!tpu.dma_semaphore, #tpu.memory_space<semaphore_mem>>)
    %dma_wait3A_107 = arith.constant 1 : i32
    %dma_wait3A_108 = arith.constant 128 : i32
    %dma_wait3A_109 = tpu.memref_slice %arg5[%dma_wait3A_108] : memref<512xi32, #tpu.memory_space<vmem>> -> memref<128xi32, #tpu.memory_space<vmem>>
    %dma_wait3A_110 = tpu.memref_slice %arg2[%select_n3A, %add3A_46] : memref<4x4096xi32, #tpu.memory_space<hbm>> -> memref<1x128xi32, #tpu.memory_space<hbm>>
    %dma_wait3A_111 = tpu.memref_squeeze %dma_wait3A_110 : memref<1x128xi32, #tpu.memory_space<hbm>> -> memref<128xi32, #tpu.memory_space<hbm>>
    %dma_wait3A_112 = tpu.memref_slice %arg7[%dma_wait3A_107] : memref<4x!tpu.dma_semaphore, #tpu.memory_space<semaphore_mem>> -> memref<1x!tpu.dma_semaphore, #tpu.memory_space<semaphore_mem>>
    %dma_wait3A_113 = tpu.memref_squeeze %dma_wait3A_112 : memref<1x!tpu.dma_semaphore, #tpu.memory_space<semaphore_mem>> -> memref<!tpu.dma_semaphore, #tpu.memory_space<semaphore_mem>>
    %dma_wait3A_114 = arith.constant 128 : i32
    %dma_wait3A_115 = tpu.memref_slice %arg5[%dma_wait3A_114] : memref<512xi32, #tpu.memory_space<vmem>> -> memref<128xi32, #tpu.memory_space<vmem>>
    %dma_wait3A_116 = tpu.memref_slice %arg2[%select_n3A, %add3A_46] : memref<4x4096xi32, #tpu.memory_space<hbm>> -> memref<1x128xi32, #tpu.memory_space<hbm>>
    %dma_wait3A_117 = tpu.memref_squeeze %dma_wait3A_116 : memref<1x128xi32, #tpu.memory_space<hbm>> -> memref<128xi32, #tpu.memory_space<hbm>>
    tpu.wait_dma2 semaphore(%dma_wait3A_113 : memref<!tpu.dma_semaphore, #tpu.memory_space<semaphore_mem>>) src(%dma_wait3A_117 : memref<128xi32, #tpu.memory_space<hbm>>) dst(%dma_wait3A_115 : memref<128xi32, #tpu.memory_space<vmem>>)
    %dma_start3A_118 = arith.constant 1 : i32
    %dma_start3A_119 = arith.constant 1 : i32
    %dma_start3A_120 = arith.constant 0 : i32
    %dma_start3A_121 = arith.constant 0 : i32
    %dma_start3A_122 = tpu.memref_slice %arg6[%dma_start3A_118, %dma_start3A_120, %dma_start3A_121] : memref<4x128x128xf32, #tpu.memory_space<vmem>> -> memref<1x128x128xf32, #tpu.memory_space<vmem>>
    %dma_start3A_123 = tpu.memref_squeeze %dma_start3A_122 : memref<1x128x128xf32, #tpu.memory_space<vmem>> -> memref<128x128xf32, #tpu.memory_space<vmem>>
    %dma_start3A_124 = arith.constant 128 : i32
    %dma_start3A_125 = tpu.memref_slice %arg5[%dma_start3A_124] : memref<512xi32, #tpu.memory_space<vmem>> -> memref<128xi32, #tpu.memory_space<vmem>>
    %dma_start3A_126 = arith.constant 0 : i32
    %dma_start3A_127 = arith.constant 0 : i32
    %dma_start3A_128 = tpu.memref_slice %arg3[%dma_start3A_126, %dma_start3A_127] : memref<100000x128xf32, #tpu.memory_space<hbm>> -> memref<100000x128xf32, #tpu.memory_space<hbm>>
    %dma_start3A_129 = tpu.memref_slice %arg8[%dma_start3A_119] : memref<4x!tpu.dma_semaphore, #tpu.memory_space<semaphore_mem>> -> memref<1x!tpu.dma_semaphore, #tpu.memory_space<semaphore_mem>>
    %dma_start3A_130 = tpu.memref_squeeze %dma_start3A_129 : memref<1x!tpu.dma_semaphore, #tpu.memory_space<semaphore_mem>> -> memref<!tpu.dma_semaphore, #tpu.memory_space<semaphore_mem>>
    tpu.enqueue_indirect_dma source(%dma_start3A_128 : memref<100000x128xf32, #tpu.memory_space<hbm>>) target(%dma_start3A_123 : memref<128x128xf32, #tpu.memory_space<vmem>>) offsets(%dma_start3A_125 : memref<128xi32, #tpu.memory_space<vmem>>) semaphore(%dma_start3A_130 : memref<!tpu.dma_semaphore, #tpu.memory_space<semaphore_mem>>)
    %dma_wait3A_131 = arith.constant 2 : i32
    %dma_wait3A_132 = arith.constant 256 : i32
    %dma_wait3A_133 = tpu.memref_slice %arg5[%dma_wait3A_132] : memref<512xi32, #tpu.memory_space<vmem>> -> memref<128xi32, #tpu.memory_space<vmem>>
    %dma_wait3A_134 = tpu.memref_slice %arg2[%select_n3A, %add3A_59] : memref<4x4096xi32, #tpu.memory_space<hbm>> -> memref<1x128xi32, #tpu.memory_space<hbm>>
    %dma_wait3A_135 = tpu.memref_squeeze %dma_wait3A_134 : memref<1x128xi32, #tpu.memory_space<hbm>> -> memref<128xi32, #tpu.memory_space<hbm>>
    %dma_wait3A_136 = tpu.memref_slice %arg7[%dma_wait3A_131] : memref<4x!tpu.dma_semaphore, #tpu.memory_space<semaphore_mem>> -> memref<1x!tpu.dma_semaphore, #tpu.memory_space<semaphore_mem>>
    %dma_wait3A_137 = tpu.memref_squeeze %dma_wait3A_136 : memref<1x!tpu.dma_semaphore, #tpu.memory_space<semaphore_mem>> -> memref<!tpu.dma_semaphore, #tpu.memory_space<semaphore_mem>>
    %dma_wait3A_138 = arith.constant 256 : i32
    %dma_wait3A_139 = tpu.memref_slice %arg5[%dma_wait3A_138] : memref<512xi32, #tpu.memory_space<vmem>> -> memref<128xi32, #tpu.memory_space<vmem>>
    %dma_wait3A_140 = tpu.memref_slice %arg2[%select_n3A, %add3A_59] : memref<4x4096xi32, #tpu.memory_space<hbm>> -> memref<1x128xi32, #tpu.memory_space<hbm>>
    %dma_wait3A_141 = tpu.memref_squeeze %dma_wait3A_140 : memref<1x128xi32, #tpu.memory_space<hbm>> -> memref<128xi32, #tpu.memory_space<hbm>>
    tpu.wait_dma2 semaphore(%dma_wait3A_137 : memref<!tpu.dma_semaphore, #tpu.memory_space<semaphore_mem>>) src(%dma_wait3A_141 : memref<128xi32, #tpu.memory_space<hbm>>) dst(%dma_wait3A_139 : memref<128xi32, #tpu.memory_space<vmem>>)
    %dma_start3A_142 = arith.constant 2 : i32
    %dma_start3A_143 = arith.constant 2 : i32
    %dma_start3A_144 = arith.constant 0 : i32
    %dma_start3A_145 = arith.constant 0 : i32
    %dma_start3A_146 = tpu.memref_slice %arg6[%dma_start3A_142, %dma_start3A_144, %dma_start3A_145] : memref<4x128x128xf32, #tpu.memory_space<vmem>> -> memref<1x128x128xf32, #tpu.memory_space<vmem>>
    %dma_start3A_147 = tpu.memref_squeeze %dma_start3A_146 : memref<1x128x128xf32, #tpu.memory_space<vmem>> -> memref<128x128xf32, #tpu.memory_space<vmem>>
    %dma_start3A_148 = arith.constant 256 : i32
    %dma_start3A_149 = tpu.memref_slice %arg5[%dma_start3A_148] : memref<512xi32, #tpu.memory_space<vmem>> -> memref<128xi32, #tpu.memory_space<vmem>>
    %dma_start3A_150 = arith.constant 0 : i32
    %dma_start3A_151 = arith.constant 0 : i32
    %dma_start3A_152 = tpu.memref_slice %arg3[%dma_start3A_150, %dma_start3A_151] : memref<100000x128xf32, #tpu.memory_space<hbm>> -> memref<100000x128xf32, #tpu.memory_space<hbm>>
    %dma_start3A_153 = tpu.memref_slice %arg8[%dma_start3A_143] : memref<4x!tpu.dma_semaphore, #tpu.memory_space<semaphore_mem>> -> memref<1x!tpu.dma_semaphore, #tpu.memory_space<semaphore_mem>>
    %dma_start3A_154 = tpu.memref_squeeze %dma_start3A_153 : memref<1x!tpu.dma_semaphore, #tpu.memory_space<semaphore_mem>> -> memref<!tpu.dma_semaphore, #tpu.memory_space<semaphore_mem>>
    tpu.enqueue_indirect_dma source(%dma_start3A_152 : memref<100000x128xf32, #tpu.memory_space<hbm>>) target(%dma_start3A_147 : memref<128x128xf32, #tpu.memory_space<vmem>>) offsets(%dma_start3A_149 : memref<128xi32, #tpu.memory_space<vmem>>) semaphore(%dma_start3A_154 : memref<!tpu.dma_semaphore, #tpu.memory_space<semaphore_mem>>)
    %dma_wait3A_155 = arith.constant 3 : i32
    %dma_wait3A_156 = arith.constant 384 : i32
    %dma_wait3A_157 = tpu.memref_slice %arg5[%dma_wait3A_156] : memref<512xi32, #tpu.memory_space<vmem>> -> memref<128xi32, #tpu.memory_space<vmem>>
    %dma_wait3A_158 = tpu.memref_slice %arg2[%select_n3A, %add3A_72] : memref<4x4096xi32, #tpu.memory_space<hbm>> -> memref<1x128xi32, #tpu.memory_space<hbm>>
    %dma_wait3A_159 = tpu.memref_squeeze %dma_wait3A_158 : memref<1x128xi32, #tpu.memory_space<hbm>> -> memref<128xi32, #tpu.memory_space<hbm>>
    %dma_wait3A_160 = tpu.memref_slice %arg7[%dma_wait3A_155] : memref<4x!tpu.dma_semaphore, #tpu.memory_space<semaphore_mem>> -> memref<1x!tpu.dma_semaphore, #tpu.memory_space<semaphore_mem>>
    %dma_wait3A_161 = tpu.memref_squeeze %dma_wait3A_160 : memref<1x!tpu.dma_semaphore, #tpu.memory_space<semaphore_mem>> -> memref<!tpu.dma_semaphore, #tpu.memory_space<semaphore_mem>>
    %dma_wait3A_162 = arith.constant 384 : i32
    %dma_wait3A_163 = tpu.memref_slice %arg5[%dma_wait3A_162] : memref<512xi32, #tpu.memory_space<vmem>> -> memref<128xi32, #tpu.memory_space<vmem>>
    %dma_wait3A_164 = tpu.memref_slice %arg2[%select_n3A, %add3A_72] : memref<4x4096xi32, #tpu.memory_space<hbm>> -> memref<1x128xi32, #tpu.memory_space<hbm>>
    %dma_wait3A_165 = tpu.memref_squeeze %dma_wait3A_164 : memref<1x128xi32, #tpu.memory_space<hbm>> -> memref<128xi32, #tpu.memory_space<hbm>>
    tpu.wait_dma2 semaphore(%dma_wait3A_161 : memref<!tpu.dma_semaphore, #tpu.memory_space<semaphore_mem>>) src(%dma_wait3A_165 : memref<128xi32, #tpu.memory_space<hbm>>) dst(%dma_wait3A_163 : memref<128xi32, #tpu.memory_space<vmem>>)
    %dma_start3A_166 = arith.constant 3 : i32
    %dma_start3A_167 = arith.constant 3 : i32
    %dma_start3A_168 = arith.constant 0 : i32
    %dma_start3A_169 = arith.constant 0 : i32
    %dma_start3A_170 = tpu.memref_slice %arg6[%dma_start3A_166, %dma_start3A_168, %dma_start3A_169] : memref<4x128x128xf32, #tpu.memory_space<vmem>> -> memref<1x128x128xf32, #tpu.memory_space<vmem>>
    %dma_start3A_171 = tpu.memref_squeeze %dma_start3A_170 : memref<1x128x128xf32, #tpu.memory_space<vmem>> -> memref<128x128xf32, #tpu.memory_space<vmem>>
    %dma_start3A_172 = arith.constant 384 : i32
    %dma_start3A_173 = tpu.memref_slice %arg5[%dma_start3A_172] : memref<512xi32, #tpu.memory_space<vmem>> -> memref<128xi32, #tpu.memory_space<vmem>>
    %dma_start3A_174 = arith.constant 0 : i32
    %dma_start3A_175 = arith.constant 0 : i32
    %dma_start3A_176 = tpu.memref_slice %arg3[%dma_start3A_174, %dma_start3A_175] : memref<100000x128xf32, #tpu.memory_space<hbm>> -> memref<100000x128xf32, #tpu.memory_space<hbm>>
    %dma_start3A_177 = tpu.memref_slice %arg8[%dma_start3A_167] : memref<4x!tpu.dma_semaphore, #tpu.memory_space<semaphore_mem>> -> memref<1x!tpu.dma_semaphore, #tpu.memory_space<semaphore_mem>>
    %dma_start3A_178 = tpu.memref_squeeze %dma_start3A_177 : memref<1x!tpu.dma_semaphore, #tpu.memory_space<semaphore_mem>> -> memref<!tpu.dma_semaphore, #tpu.memory_space<semaphore_mem>>
    tpu.enqueue_indirect_dma source(%dma_start3A_176 : memref<100000x128xf32, #tpu.memory_space<hbm>>) target(%dma_start3A_171 : memref<128x128xf32, #tpu.memory_space<vmem>>) offsets(%dma_start3A_173 : memref<128xi32, #tpu.memory_space<vmem>>) semaphore(%dma_start3A_178 : memref<!tpu.dma_semaphore, #tpu.memory_space<semaphore_mem>>)
    %dma_wait3A_179 = arith.constant 0 : i32
    %dma_wait3A_180 = arith.constant 0 : i32
    %dma_wait3A_181 = arith.constant 0 : i32
    %dma_wait3A_182 = arith.constant 0 : i32
    %dma_wait3A_183 = tpu.memref_slice %arg6[%dma_wait3A_179, %dma_wait3A_181, %dma_wait3A_182] : memref<4x128x128xf32, #tpu.memory_space<vmem>> -> memref<1x128x128xf32, #tpu.memory_space<vmem>>
    %dma_wait3A_184 = tpu.memref_squeeze %dma_wait3A_183 : memref<1x128x128xf32, #tpu.memory_space<vmem>> -> memref<128x128xf32, #tpu.memory_space<vmem>>
    %dma_wait3A_185 = arith.constant 0 : i32
    %dma_wait3A_186 = tpu.memref_slice %arg5[%dma_wait3A_185] : memref<512xi32, #tpu.memory_space<vmem>> -> memref<128xi32, #tpu.memory_space<vmem>>
    %dma_wait3A_187 = arith.constant 0 : i32
    %dma_wait3A_188 = arith.constant 0 : i32
    %dma_wait3A_189 = tpu.memref_slice %arg3[%dma_wait3A_187, %dma_wait3A_188] : memref<100000x128xf32, #tpu.memory_space<hbm>> -> memref<100000x128xf32, #tpu.memory_space<hbm>>
    %dma_wait3A_190 = tpu.memref_slice %arg8[%dma_wait3A_180] : memref<4x!tpu.dma_semaphore, #tpu.memory_space<semaphore_mem>> -> memref<1x!tpu.dma_semaphore, #tpu.memory_space<semaphore_mem>>
    %dma_wait3A_191 = tpu.memref_squeeze %dma_wait3A_190 : memref<1x!tpu.dma_semaphore, #tpu.memory_space<semaphore_mem>> -> memref<!tpu.dma_semaphore, #tpu.memory_space<semaphore_mem>>
    tpu.wait_indirect_dma semaphore(%dma_wait3A_191 : memref<!tpu.dma_semaphore, #tpu.memory_space<semaphore_mem>>) src(%dma_wait3A_189 : memref<100000x128xf32, #tpu.memory_space<hbm>>) dst(%dma_wait3A_184 : memref<128x128xf32, #tpu.memory_space<vmem>>)
    %add3A_192 = arith.constant 0 : i32
    %add3A_193 = arith.addi %mul3A_32, %add3A_192 : i32
    %dma_start3A_194 = arith.constant 0 : i32
    %dma_start3A_195 = arith.constant 0 : i32
    %dma_start3A_196 = arith.constant 0 : i32
    %dma_start3A_197 = tpu.memref_slice %arg6[%dma_start3A_194, %dma_start3A_195, %dma_start3A_196] : memref<4x128x128xf32, #tpu.memory_space<vmem>> -> memref<1x128x128xf32, #tpu.memory_space<vmem>>
    %dma_start3A_198 = tpu.memref_squeeze %dma_start3A_197 : memref<1x128x128xf32, #tpu.memory_space<vmem>> -> memref<128x128xf32, #tpu.memory_space<vmem>>
    %dma_start3A_199 = arith.constant 0 : i32
    %dma_start3A_200 = tpu.memref_slice %arg4[%select_n3A, %add3A_193, %dma_start3A_199] : memref<4x4096x128xf32, #tpu.memory_space<hbm>> -> memref<1x128x128xf32, #tpu.memory_space<hbm>>
    %dma_start3A_201 = tpu.memref_squeeze %dma_start3A_200 : memref<1x128x128xf32, #tpu.memory_space<hbm>> -> memref<128x128xf32, #tpu.memory_space<hbm>>
    %dma_start3A_202 = arith.constant 0 : i32
    %dma_start3A_203 = tpu.memref_slice %arg4[%select_n3A, %add3A_193, %dma_start3A_202] : memref<4x4096x128xf32, #tpu.memory_space<hbm>> -> memref<1x128x128xf32, #tpu.memory_space<hbm>>
    %dma_start3A_204 = tpu.memref_squeeze %dma_start3A_203 : memref<1x128x128xf32, #tpu.memory_space<hbm>> -> memref<128x128xf32, #tpu.memory_space<hbm>>
    %dma_start3A_205 = arith.constant 0 : i32
    %dma_start3A_206 = arith.constant 0 : i32
    %dma_start3A_207 = tpu.memref_slice %arg6[%dma_start3A_194, %dma_start3A_205, %dma_start3A_206] : memref<4x128x128xf32, #tpu.memory_space<vmem>> -> memref<1x128x128xf32, #tpu.memory_space<vmem>>
    %dma_start3A_208 = tpu.memref_squeeze %dma_start3A_207 : memref<1x128x128xf32, #tpu.memory_space<vmem>> -> memref<128x128xf32, #tpu.memory_space<vmem>>
    tpu.enqueue_dma source(%dma_start3A_208 : memref<128x128xf32, #tpu.memory_space<vmem>>) target(%dma_start3A_204 : memref<128x128xf32, #tpu.memory_space<hbm>>) target_semaphore(%arg9 : memref<!tpu.dma_semaphore, #tpu.memory_space<semaphore_mem>>)
    %dma_wait3A_209 = arith.constant 1 : i32
    %dma_wait3A_210 = arith.constant 1 : i32
    %dma_wait3A_211 = arith.constant 0 : i32
    %dma_wait3A_212 = arith.constant 0 : i32
    %dma_wait3A_213 = tpu.memref_slice %arg6[%dma_wait3A_209, %dma_wait3A_211, %dma_wait3A_212] : memref<4x128x128xf32, #tpu.memory_space<vmem>> -> memref<1x128x128xf32, #tpu.memory_space<vmem>>
    %dma_wait3A_214 = tpu.memref_squeeze %dma_wait3A_213 : memref<1x128x128xf32, #tpu.memory_space<vmem>> -> memref<128x128xf32, #tpu.memory_space<vmem>>
    %dma_wait3A_215 = arith.constant 128 : i32
    %dma_wait3A_216 = tpu.memref_slice %arg5[%dma_wait3A_215] : memref<512xi32, #tpu.memory_space<vmem>> -> memref<128xi32, #tpu.memory_space<vmem>>
    %dma_wait3A_217 = arith.constant 0 : i32
    %dma_wait3A_218 = arith.constant 0 : i32
    %dma_wait3A_219 = tpu.memref_slice %arg3[%dma_wait3A_217, %dma_wait3A_218] : memref<100000x128xf32, #tpu.memory_space<hbm>> -> memref<100000x128xf32, #tpu.memory_space<hbm>>
    %dma_wait3A_220 = tpu.memref_slice %arg8[%dma_wait3A_210] : memref<4x!tpu.dma_semaphore, #tpu.memory_space<semaphore_mem>> -> memref<1x!tpu.dma_semaphore, #tpu.memory_space<semaphore_mem>>
    %dma_wait3A_221 = tpu.memref_squeeze %dma_wait3A_220 : memref<1x!tpu.dma_semaphore, #tpu.memory_space<semaphore_mem>> -> memref<!tpu.dma_semaphore, #tpu.memory_space<semaphore_mem>>
    tpu.wait_indirect_dma semaphore(%dma_wait3A_221 : memref<!tpu.dma_semaphore, #tpu.memory_space<semaphore_mem>>) src(%dma_wait3A_219 : memref<100000x128xf32, #tpu.memory_space<hbm>>) dst(%dma_wait3A_214 : memref<128x128xf32, #tpu.memory_space<vmem>>)
    %add3A_222 = arith.constant 128 : i32
    %add3A_223 = arith.addi %mul3A_32, %add3A_222 : i32
    %dma_start3A_224 = arith.constant 1 : i32
    %dma_start3A_225 = arith.constant 0 : i32
    %dma_start3A_226 = arith.constant 0 : i32
    %dma_start3A_227 = tpu.memref_slice %arg6[%dma_start3A_224, %dma_start3A_225, %dma_start3A_226] : memref<4x128x128xf32, #tpu.memory_space<vmem>> -> memref<1x128x128xf32, #tpu.memory_space<vmem>>
    %dma_start3A_228 = tpu.memref_squeeze %dma_start3A_227 : memref<1x128x128xf32, #tpu.memory_space<vmem>> -> memref<128x128xf32, #tpu.memory_space<vmem>>
    %dma_start3A_229 = arith.constant 0 : i32
    %dma_start3A_230 = tpu.memref_slice %arg4[%select_n3A, %add3A_223, %dma_start3A_229] : memref<4x4096x128xf32, #tpu.memory_space<hbm>> -> memref<1x128x128xf32, #tpu.memory_space<hbm>>
    %dma_start3A_231 = tpu.memref_squeeze %dma_start3A_230 : memref<1x128x128xf32, #tpu.memory_space<hbm>> -> memref<128x128xf32, #tpu.memory_space<hbm>>
    %dma_start3A_232 = arith.constant 0 : i32
    %dma_start3A_233 = tpu.memref_slice %arg4[%select_n3A, %add3A_223, %dma_start3A_232] : memref<4x4096x128xf32, #tpu.memory_space<hbm>> -> memref<1x128x128xf32, #tpu.memory_space<hbm>>
    %dma_start3A_234 = tpu.memref_squeeze %dma_start3A_233 : memref<1x128x128xf32, #tpu.memory_space<hbm>> -> memref<128x128xf32, #tpu.memory_space<hbm>>
    %dma_start3A_235 = arith.constant 0 : i32
    %dma_start3A_236 = arith.constant 0 : i32
    %dma_start3A_237 = tpu.memref_slice %arg6[%dma_start3A_224, %dma_start3A_235, %dma_start3A_236] : memref<4x128x128xf32, #tpu.memory_space<vmem>> -> memref<1x128x128xf32, #tpu.memory_space<vmem>>
    %dma_start3A_238 = tpu.memref_squeeze %dma_start3A_237 : memref<1x128x128xf32, #tpu.memory_space<vmem>> -> memref<128x128xf32, #tpu.memory_space<vmem>>
    tpu.enqueue_dma source(%dma_start3A_238 : memref<128x128xf32, #tpu.memory_space<vmem>>) target(%dma_start3A_234 : memref<128x128xf32, #tpu.memory_space<hbm>>) target_semaphore(%arg9 : memref<!tpu.dma_semaphore, #tpu.memory_space<semaphore_mem>>)
    %dma_wait3A_239 = arith.constant 2 : i32
    %dma_wait3A_240 = arith.constant 2 : i32
    %dma_wait3A_241 = arith.constant 0 : i32
    %dma_wait3A_242 = arith.constant 0 : i32
    %dma_wait3A_243 = tpu.memref_slice %arg6[%dma_wait3A_239, %dma_wait3A_241, %dma_wait3A_242] : memref<4x128x128xf32, #tpu.memory_space<vmem>> -> memref<1x128x128xf32, #tpu.memory_space<vmem>>
    %dma_wait3A_244 = tpu.memref_squeeze %dma_wait3A_243 : memref<1x128x128xf32, #tpu.memory_space<vmem>> -> memref<128x128xf32, #tpu.memory_space<vmem>>
    %dma_wait3A_245 = arith.constant 256 : i32
    %dma_wait3A_246 = tpu.memref_slice %arg5[%dma_wait3A_245] : memref<512xi32, #tpu.memory_space<vmem>> -> memref<128xi32, #tpu.memory_space<vmem>>
    %dma_wait3A_247 = arith.constant 0 : i32
    %dma_wait3A_248 = arith.constant 0 : i32
    %dma_wait3A_249 = tpu.memref_slice %arg3[%dma_wait3A_247, %dma_wait3A_248] : memref<100000x128xf32, #tpu.memory_space<hbm>> -> memref<100000x128xf32, #tpu.memory_space<hbm>>
    %dma_wait3A_250 = tpu.memref_slice %arg8[%dma_wait3A_240] : memref<4x!tpu.dma_semaphore, #tpu.memory_space<semaphore_mem>> -> memref<1x!tpu.dma_semaphore, #tpu.memory_space<semaphore_mem>>
    %dma_wait3A_251 = tpu.memref_squeeze %dma_wait3A_250 : memref<1x!tpu.dma_semaphore, #tpu.memory_space<semaphore_mem>> -> memref<!tpu.dma_semaphore, #tpu.memory_space<semaphore_mem>>
    tpu.wait_indirect_dma semaphore(%dma_wait3A_251 : memref<!tpu.dma_semaphore, #tpu.memory_space<semaphore_mem>>) src(%dma_wait3A_249 : memref<100000x128xf32, #tpu.memory_space<hbm>>) dst(%dma_wait3A_244 : memref<128x128xf32, #tpu.memory_space<vmem>>)
    %add3A_252 = arith.constant 256 : i32
    %add3A_253 = arith.addi %mul3A_32, %add3A_252 : i32
    %dma_start3A_254 = arith.constant 2 : i32
    %dma_start3A_255 = arith.constant 0 : i32
    %dma_start3A_256 = arith.constant 0 : i32
    %dma_start3A_257 = tpu.memref_slice %arg6[%dma_start3A_254, %dma_start3A_255, %dma_start3A_256] : memref<4x128x128xf32, #tpu.memory_space<vmem>> -> memref<1x128x128xf32, #tpu.memory_space<vmem>>
    %dma_start3A_258 = tpu.memref_squeeze %dma_start3A_257 : memref<1x128x128xf32, #tpu.memory_space<vmem>> -> memref<128x128xf32, #tpu.memory_space<vmem>>
    %dma_start3A_259 = arith.constant 0 : i32
    %dma_start3A_260 = tpu.memref_slice %arg4[%select_n3A, %add3A_253, %dma_start3A_259] : memref<4x4096x128xf32, #tpu.memory_space<hbm>> -> memref<1x128x128xf32, #tpu.memory_space<hbm>>
    %dma_start3A_261 = tpu.memref_squeeze %dma_start3A_260 : memref<1x128x128xf32, #tpu.memory_space<hbm>> -> memref<128x128xf32, #tpu.memory_space<hbm>>
    %dma_start3A_262 = arith.constant 0 : i32
    %dma_start3A_263 = tpu.memref_slice %arg4[%select_n3A, %add3A_253, %dma_start3A_262] : memref<4x4096x128xf32, #tpu.memory_space<hbm>> -> memref<1x128x128xf32, #tpu.memory_space<hbm>>
    %dma_start3A_264 = tpu.memref_squeeze %dma_start3A_263 : memref<1x128x128xf32, #tpu.memory_space<hbm>> -> memref<128x128xf32, #tpu.memory_space<hbm>>
    %dma_start3A_265 = arith.constant 0 : i32
    %dma_start3A_266 = arith.constant 0 : i32
    %dma_start3A_267 = tpu.memref_slice %arg6[%dma_start3A_254, %dma_start3A_265, %dma_start3A_266] : memref<4x128x128xf32, #tpu.memory_space<vmem>> -> memref<1x128x128xf32, #tpu.memory_space<vmem>>
    %dma_start3A_268 = tpu.memref_squeeze %dma_start3A_267 : memref<1x128x128xf32, #tpu.memory_space<vmem>> -> memref<128x128xf32, #tpu.memory_space<vmem>>
    tpu.enqueue_dma source(%dma_start3A_268 : memref<128x128xf32, #tpu.memory_space<vmem>>) target(%dma_start3A_264 : memref<128x128xf32, #tpu.memory_space<hbm>>) target_semaphore(%arg9 : memref<!tpu.dma_semaphore, #tpu.memory_space<semaphore_mem>>)
    %dma_wait3A_269 = arith.constant 3 : i32
    %dma_wait3A_270 = arith.constant 3 : i32
    %dma_wait3A_271 = arith.constant 0 : i32
    %dma_wait3A_272 = arith.constant 0 : i32
    %dma_wait3A_273 = tpu.memref_slice %arg6[%dma_wait3A_269, %dma_wait3A_271, %dma_wait3A_272] : memref<4x128x128xf32, #tpu.memory_space<vmem>> -> memref<1x128x128xf32, #tpu.memory_space<vmem>>
    %dma_wait3A_274 = tpu.memref_squeeze %dma_wait3A_273 : memref<1x128x128xf32, #tpu.memory_space<vmem>> -> memref<128x128xf32, #tpu.memory_space<vmem>>
    %dma_wait3A_275 = arith.constant 384 : i32
    %dma_wait3A_276 = tpu.memref_slice %arg5[%dma_wait3A_275] : memref<512xi32, #tpu.memory_space<vmem>> -> memref<128xi32, #tpu.memory_space<vmem>>
    %dma_wait3A_277 = arith.constant 0 : i32
    %dma_wait3A_278 = arith.constant 0 : i32
    %dma_wait3A_279 = tpu.memref_slice %arg3[%dma_wait3A_277, %dma_wait3A_278] : memref<100000x128xf32, #tpu.memory_space<hbm>> -> memref<100000x128xf32, #tpu.memory_space<hbm>>
    %dma_wait3A_280 = tpu.memref_slice %arg8[%dma_wait3A_270] : memref<4x!tpu.dma_semaphore, #tpu.memory_space<semaphore_mem>> -> memref<1x!tpu.dma_semaphore, #tpu.memory_space<semaphore_mem>>
    %dma_wait3A_281 = tpu.memref_squeeze %dma_wait3A_280 : memref<1x!tpu.dma_semaphore, #tpu.memory_space<semaphore_mem>> -> memref<!tpu.dma_semaphore, #tpu.memory_space<semaphore_mem>>
    tpu.wait_indirect_dma semaphore(%dma_wait3A_281 : memref<!tpu.dma_semaphore, #tpu.memory_space<semaphore_mem>>) src(%dma_wait3A_279 : memref<100000x128xf32, #tpu.memory_space<hbm>>) dst(%dma_wait3A_274 : memref<128x128xf32, #tpu.memory_space<vmem>>)
    %add3A_282 = arith.constant 384 : i32
    %add3A_283 = arith.addi %mul3A_32, %add3A_282 : i32
    %dma_start3A_284 = arith.constant 3 : i32
    %dma_start3A_285 = arith.constant 0 : i32
    %dma_start3A_286 = arith.constant 0 : i32
    %dma_start3A_287 = tpu.memref_slice %arg6[%dma_start3A_284, %dma_start3A_285, %dma_start3A_286] : memref<4x128x128xf32, #tpu.memory_space<vmem>> -> memref<1x128x128xf32, #tpu.memory_space<vmem>>
    %dma_start3A_288 = tpu.memref_squeeze %dma_start3A_287 : memref<1x128x128xf32, #tpu.memory_space<vmem>> -> memref<128x128xf32, #tpu.memory_space<vmem>>
    %dma_start3A_289 = arith.constant 0 : i32
    %dma_start3A_290 = tpu.memref_slice %arg4[%select_n3A, %add3A_283, %dma_start3A_289] : memref<4x4096x128xf32, #tpu.memory_space<hbm>> -> memref<1x128x128xf32, #tpu.memory_space<hbm>>
    %dma_start3A_291 = tpu.memref_squeeze %dma_start3A_290 : memref<1x128x128xf32, #tpu.memory_space<hbm>> -> memref<128x128xf32, #tpu.memory_space<hbm>>
    %dma_start3A_292 = arith.constant 0 : i32
    %dma_start3A_293 = tpu.memref_slice %arg4[%select_n3A, %add3A_283, %dma_start3A_292] : memref<4x4096x128xf32, #tpu.memory_space<hbm>> -> memref<1x128x128xf32, #tpu.memory_space<hbm>>
    %dma_start3A_294 = tpu.memref_squeeze %dma_start3A_293 : memref<1x128x128xf32, #tpu.memory_space<hbm>> -> memref<128x128xf32, #tpu.memory_space<hbm>>
    %dma_start3A_295 = arith.constant 0 : i32
    %dma_start3A_296 = arith.constant 0 : i32
    %dma_start3A_297 = tpu.memref_slice %arg6[%dma_start3A_284, %dma_start3A_295, %dma_start3A_296] : memref<4x128x128xf32, #tpu.memory_space<vmem>> -> memref<1x128x128xf32, #tpu.memory_space<vmem>>
    %dma_start3A_298 = tpu.memref_squeeze %dma_start3A_297 : memref<1x128x128xf32, #tpu.memory_space<vmem>> -> memref<128x128xf32, #tpu.memory_space<vmem>>
    tpu.enqueue_dma source(%dma_start3A_298 : memref<128x128xf32, #tpu.memory_space<vmem>>) target(%dma_start3A_294 : memref<128x128xf32, #tpu.memory_space<hbm>>) target_semaphore(%arg9 : memref<!tpu.dma_semaphore, #tpu.memory_space<semaphore_mem>>)
    %dma_wait3A_299 = arith.constant 0 : i32
    %dma_wait3A_300 = arith.constant 0 : i32
    %dma_wait3A_301 = arith.constant 0 : i32
    %dma_wait3A_302 = tpu.memref_slice %arg6[%dma_wait3A_299, %dma_wait3A_300, %dma_wait3A_301] : memref<4x128x128xf32, #tpu.memory_space<vmem>> -> memref<1x128x128xf32, #tpu.memory_space<vmem>>
    %dma_wait3A_303 = tpu.memref_squeeze %dma_wait3A_302 : memref<1x128x128xf32, #tpu.memory_space<vmem>> -> memref<128x128xf32, #tpu.memory_space<vmem>>
    %dma_wait3A_304 = arith.constant 0 : i32
    %dma_wait3A_305 = tpu.memref_slice %arg4[%select_n3A, %add3A_193, %dma_wait3A_304] : memref<4x4096x128xf32, #tpu.memory_space<hbm>> -> memref<1x128x128xf32, #tpu.memory_space<hbm>>
    %dma_wait3A_306 = tpu.memref_squeeze %dma_wait3A_305 : memref<1x128x128xf32, #tpu.memory_space<hbm>> -> memref<128x128xf32, #tpu.memory_space<hbm>>
    %dma_wait3A_307 = arith.constant 0 : i32
    %dma_wait3A_308 = tpu.memref_slice %arg4[%select_n3A, %add3A_193, %dma_wait3A_307] : memref<4x4096x128xf32, #tpu.memory_space<hbm>> -> memref<1x128x128xf32, #tpu.memory_space<hbm>>
    %dma_wait3A_309 = tpu.memref_squeeze %dma_wait3A_308 : memref<1x128x128xf32, #tpu.memory_space<hbm>> -> memref<128x128xf32, #tpu.memory_space<hbm>>
    %dma_wait3A_310 = arith.constant 0 : i32
    %dma_wait3A_311 = arith.constant 0 : i32
    %dma_wait3A_312 = tpu.memref_slice %arg6[%dma_wait3A_299, %dma_wait3A_310, %dma_wait3A_311] : memref<4x128x128xf32, #tpu.memory_space<vmem>> -> memref<1x128x128xf32, #tpu.memory_space<vmem>>
    %dma_wait3A_313 = tpu.memref_squeeze %dma_wait3A_312 : memref<1x128x128xf32, #tpu.memory_space<vmem>> -> memref<128x128xf32, #tpu.memory_space<vmem>>
    tpu.wait_dma2 semaphore(%arg9 : memref<!tpu.dma_semaphore, #tpu.memory_space<semaphore_mem>>) src(%dma_wait3A_313 : memref<128x128xf32, #tpu.memory_space<vmem>>) dst(%dma_wait3A_309 : memref<128x128xf32, #tpu.memory_space<hbm>>)
    %dma_wait3A_314 = arith.constant 1 : i32
    %dma_wait3A_315 = arith.constant 0 : i32
    %dma_wait3A_316 = arith.constant 0 : i32
    %dma_wait3A_317 = tpu.memref_slice %arg6[%dma_wait3A_314, %dma_wait3A_315, %dma_wait3A_316] : memref<4x128x128xf32, #tpu.memory_space<vmem>> -> memref<1x128x128xf32, #tpu.memory_space<vmem>>
    %dma_wait3A_318 = tpu.memref_squeeze %dma_wait3A_317 : memref<1x128x128xf32, #tpu.memory_space<vmem>> -> memref<128x128xf32, #tpu.memory_space<vmem>>
    %dma_wait3A_319 = arith.constant 0 : i32
    %dma_wait3A_320 = tpu.memref_slice %arg4[%select_n3A, %add3A_223, %dma_wait3A_319] : memref<4x4096x128xf32, #tpu.memory_space<hbm>> -> memref<1x128x128xf32, #tpu.memory_space<hbm>>
    %dma_wait3A_321 = tpu.memref_squeeze %dma_wait3A_320 : memref<1x128x128xf32, #tpu.memory_space<hbm>> -> memref<128x128xf32, #tpu.memory_space<hbm>>
    %dma_wait3A_322 = arith.constant 0 : i32
    %dma_wait3A_323 = tpu.memref_slice %arg4[%select_n3A, %add3A_223, %dma_wait3A_322] : memref<4x4096x128xf32, #tpu.memory_space<hbm>> -> memref<1x128x128xf32, #tpu.memory_space<hbm>>
    %dma_wait3A_324 = tpu.memref_squeeze %dma_wait3A_323 : memref<1x128x128xf32, #tpu.memory_space<hbm>> -> memref<128x128xf32, #tpu.memory_space<hbm>>
    %dma_wait3A_325 = arith.constant 0 : i32
    %dma_wait3A_326 = arith.constant 0 : i32
    %dma_wait3A_327 = tpu.memref_slice %arg6[%dma_wait3A_314, %dma_wait3A_325, %dma_wait3A_326] : memref<4x128x128xf32, #tpu.memory_space<vmem>> -> memref<1x128x128xf32, #tpu.memory_space<vmem>>
    %dma_wait3A_328 = tpu.memref_squeeze %dma_wait3A_327 : memref<1x128x128xf32, #tpu.memory_space<vmem>> -> memref<128x128xf32, #tpu.memory_space<vmem>>
    tpu.wait_dma2 semaphore(%arg9 : memref<!tpu.dma_semaphore, #tpu.memory_space<semaphore_mem>>) src(%dma_wait3A_328 : memref<128x128xf32, #tpu.memory_space<vmem>>) dst(%dma_wait3A_324 : memref<128x128xf32, #tpu.memory_space<hbm>>)
    %dma_wait3A_329 = arith.constant 2 : i32
    %dma_wait3A_330 = arith.constant 0 : i32
    %dma_wait3A_331 = arith.constant 0 : i32
    %dma_wait3A_332 = tpu.memref_slice %arg6[%dma_wait3A_329, %dma_wait3A_330, %dma_wait3A_331] : memref<4x128x128xf32, #tpu.memory_space<vmem>> -> memref<1x128x128xf32, #tpu.memory_space<vmem>>
    %dma_wait3A_333 = tpu.memref_squeeze %dma_wait3A_332 : memref<1x128x128xf32, #tpu.memory_space<vmem>> -> memref<128x128xf32, #tpu.memory_space<vmem>>
    %dma_wait3A_334 = arith.constant 0 : i32
    %dma_wait3A_335 = tpu.memref_slice %arg4[%select_n3A, %add3A_253, %dma_wait3A_334] : memref<4x4096x128xf32, #tpu.memory_space<hbm>> -> memref<1x128x128xf32, #tpu.memory_space<hbm>>
    %dma_wait3A_336 = tpu.memref_squeeze %dma_wait3A_335 : memref<1x128x128xf32, #tpu.memory_space<hbm>> -> memref<128x128xf32, #tpu.memory_space<hbm>>
    %dma_wait3A_337 = arith.constant 0 : i32
    %dma_wait3A_338 = tpu.memref_slice %arg4[%select_n3A, %add3A_253, %dma_wait3A_337] : memref<4x4096x128xf32, #tpu.memory_space<hbm>> -> memref<1x128x128xf32, #tpu.memory_space<hbm>>
    %dma_wait3A_339 = tpu.memref_squeeze %dma_wait3A_338 : memref<1x128x128xf32, #tpu.memory_space<hbm>> -> memref<128x128xf32, #tpu.memory_space<hbm>>
    %dma_wait3A_340 = arith.constant 0 : i32
    %dma_wait3A_341 = arith.constant 0 : i32
    %dma_wait3A_342 = tpu.memref_slice %arg6[%dma_wait3A_329, %dma_wait3A_340, %dma_wait3A_341] : memref<4x128x128xf32, #tpu.memory_space<vmem>> -> memref<1x128x128xf32, #tpu.memory_space<vmem>>
    %dma_wait3A_343 = tpu.memref_squeeze %dma_wait3A_342 : memref<1x128x128xf32, #tpu.memory_space<vmem>> -> memref<128x128xf32, #tpu.memory_space<vmem>>
    tpu.wait_dma2 semaphore(%arg9 : memref<!tpu.dma_semaphore, #tpu.memory_space<semaphore_mem>>) src(%dma_wait3A_343 : memref<128x128xf32, #tpu.memory_space<vmem>>) dst(%dma_wait3A_339 : memref<128x128xf32, #tpu.memory_space<hbm>>)
    %dma_wait3A_344 = arith.constant 3 : i32
    %dma_wait3A_345 = arith.constant 0 : i32
    %dma_wait3A_346 = arith.constant 0 : i32
    %dma_wait3A_347 = tpu.memref_slice %arg6[%dma_wait3A_344, %dma_wait3A_345, %dma_wait3A_346] : memref<4x128x128xf32, #tpu.memory_space<vmem>> -> memref<1x128x128xf32, #tpu.memory_space<vmem>>
    %dma_wait3A_348 = tpu.memref_squeeze %dma_wait3A_347 : memref<1x128x128xf32, #tpu.memory_space<vmem>> -> memref<128x128xf32, #tpu.memory_space<vmem>>
    %dma_wait3A_349 = arith.constant 0 : i32
    %dma_wait3A_350 = tpu.memref_slice %arg4[%select_n3A, %add3A_283, %dma_wait3A_349] : memref<4x4096x128xf32, #tpu.memory_space<hbm>> -> memref<1x128x128xf32, #tpu.memory_space<hbm>>
    %dma_wait3A_351 = tpu.memref_squeeze %dma_wait3A_350 : memref<1x128x128xf32, #tpu.memory_space<hbm>> -> memref<128x128xf32, #tpu.memory_space<hbm>>
    %dma_wait3A_352 = arith.constant 0 : i32
    %dma_wait3A_353 = tpu.memref_slice %arg4[%select_n3A, %add3A_283, %dma_wait3A_352] : memref<4x4096x128xf32, #tpu.memory_space<hbm>> -> memref<1x128x128xf32, #tpu.memory_space<hbm>>
    %dma_wait3A_354 = tpu.memref_squeeze %dma_wait3A_353 : memref<1x128x128xf32, #tpu.memory_space<hbm>> -> memref<128x128xf32, #tpu.memory_space<hbm>>
    %dma_wait3A_355 = arith.constant 0 : i32
    %dma_wait3A_356 = arith.constant 0 : i32
    %dma_wait3A_357 = tpu.memref_slice %arg6[%dma_wait3A_344, %dma_wait3A_355, %dma_wait3A_356] : memref<4x128x128xf32, #tpu.memory_space<vmem>> -> memref<1x128x128xf32, #tpu.memory_space<vmem>>
    %dma_wait3A_358 = tpu.memref_squeeze %dma_wait3A_357 : memref<1x128x128xf32, #tpu.memory_space<vmem>> -> memref<128x128xf32, #tpu.memory_space<vmem>>
    tpu.wait_dma2 semaphore(%arg9 : memref<!tpu.dma_semaphore, #tpu.memory_space<semaphore_mem>>) src(%dma_wait3A_358 : memref<128x128xf32, #tpu.memory_space<vmem>>) dst(%dma_wait3A_354 : memref<128x128xf32, #tpu.memory_space<hbm>>)
    return
  }
}

</mosaic_0001>

<sc_bundles>
// kernel: kernel.3.cloned.1.call-start
scs
__scs_entry_jumppad:
0x0: {  	(pc) =	sbr.rel $0x88, $3  }
0x1: {  	(tag) =	ssettag $0x0;
	lr =	simm.s32 $0x1  }
0x2: {  	[smem:$0x3F9F] =	sst lr;
	_ =	strace $0xD0000000  }
0x3: {  	_ = 	snop  }
0x4: {  	_ = 	snop  }
0x5: {  	_ = 	snop  }
0x6: {  	_ = 	snop  }
0x7: {  	_ = 	snop  }
__scs_overlays_trampoline_lowered:
0x8: {  	[smem:$0x3FAE] =	sst s0  }
0x9: {  	[smem:$0x3FAF] =	sst s1  }
0xa: {  	[smem:$0x3FB0] =	sst s2  }
0xb: {  	[smem:$0x3FB1] =	sst s3  }
0xc: {  	[smem:$0x3FB2] =	sst s4  }
0xd: {  	[smem:$0x3FB3] =	sst s5  }
0xe: {  	[smem:$0x3FB4] =	sst s6  }
0xf: {  	[smem:$0x3FB5] =	sst s7  }
0x10: {  	[smem:$0x3FB6] =	sst s8  }
0x11: {  	[smem:$0x3FB7] =	sst s9;
	s0 =	simm.s32 @!p0 $0x0  }
0x12: {  	s1 =	sld [smem:$0x3F9D];
	s0 =	simm.s32 @p0 $0x1  }
0x13: {  	[smem:$0x3FB8] =	sst s0;
	s0 =	simm.s32 @!p1 $0x0  }
0x14: {  	s2 =	sld [smem:$0x3F9C];
	s0 =	simm.s32 @p1 $0x1  }
0x15: {  	[smem:$0x3FB9] =	sst s0;
	s0 =	simm.s32 @!p2 $0x0  }
0x16: {  	s3 =	sld [smem:$0x3FDB];
	s0 =	simm.s32 @p2 $0x1  }
0x17: {  	s4 =	simm.s32 $0x1BF5;
	[smem:$0x3FBB] =	sst s0  }
0x18: {  	s0 =	sld [smem:$0x3F9E];
	_ =	swait.ge [sflag:s4], $0x0  }
0x19: {  	s7 =	sld [smem:$0x3F9F]  }
0x1a: {  	s8 =	sadd.s32 $0xFFFFE003, lr  }
0x1b: {  	s9 =	sadd.s32 $0xFFFFFEF7, lr;
	s5 =	simm.s32 $0xFFFFFFFF;
	p2 =	slt.u32 s8, $0xFFFFF086  }
0x1c: {  	p1 =	slt.u32 s9, $0xF7A;
	s5 =	simm.s32 @!p2 $0x0  }
0x1d: {  	s5 =	simm.s32 @p1 $0x1;
	p0 =	seq.s32 s7, s2  }
0x1e: {  	s7 =	smul.u32 @!p0 $0xF7A, s2;
	p2 =	seq.s32 @!p0 s5, $0x0  }
0x1f: {  	s9 =	smul.u32 $0xF7A, s1;
	s8 =	simm.s32 @!p0 $0x1BF5;
	p2 =	por !p2, p0  }
0x20: {  	[sflag:s8] =	ssyncset.s32 @!p0 $0xFFFFF086;
	s6 =	sadd.s32 @!p0 s3, s7;
	s7 =	simm.s32 @!p0 $0x108  }
0x21: {  	s3 =	sadd.s32 s3, s9;
	s6 =	sadd.s32 @!p0 $0x88, s6;
	s7 =	simm.s32 @p2 $0x1082  }
0x22: {  	[simem:s7], [sflag:s8] =	dma.local @!p0 [hbm:s6], $0xF7A  }
0x23: {  	s9 =	sor.u32 $0xD0000000, s2;
	s6 =	simm.s32 $0x108;
	_ =	swait.ge @!p0 [sflag:s8], $0x0  }
0x24: {  	s3 =	sadd.s32 $0x88, s3;
	s6 =	simm.s32 @!p1 $0x1082;
	[sflag:s4] =	ssyncset.s32 $0xFFFFF086  }
0x25: {  	[simem:s6], [sflag:s4] =	dma.local [hbm:s3], $0xF7A  }
0x26: {  	[smem:$0x3F9F] =	sst s1;
	(tag) =	ssettag s2;
	_ =	strace s9  }
0x27: {  	s1 =	sld [smem:$0x3FAF]  }
0x28: {  	s2 =	sld [smem:$0x3FB0]  }
0x29: {  	s4 =	sld [smem:$0x3FB2]  }
0x2a: {  	p0 =	seq.s32 s5, $0x0;
	s5 =	sld [smem:$0x3FB3]  }
0x2b: {  	s6 =	sld [smem:$0x3FB4]  }
0x2c: {  	s7 =	sld [smem:$0x3FB5]  }
0x2d: {  	s3 =	simm.s32 $0x108;
	s8 =	sld [smem:$0x3FB6]  }
0x2e: {  	s3 =	simm.s32 @!p0 $0x1082;
	s9 =	sld [smem:$0x3FB7]  }
0x2f: {  	lr =	sadd.s32 s0, s3;
	s0 =	sld [smem:$0x3FAE]  }
0x30: {  	s3 =	sld [smem:$0x3FB1]  }
0x31: {  	[smem:$0x3FBA] =	sst s10  }
0x32: {  	s10 =	sld [smem:$0x3FB8];
	_ =	sdelay $0x3  }
0x33: {  	p0 =	seq.s32 s10, $0x1;
	s10 =	sld [smem:$0x3FBA];
	_ =	sdelay $0x3  }
0x34: {  	[smem:$0x3FBA] =	sst s10  }
0x35: {  	s10 =	sld [smem:$0x3FB9];
	_ =	sdelay $0x3  }
0x36: {  	p1 =	seq.s32 s10, $0x1;
	s10 =	sld [smem:$0x3FBA];
	_ =	sdelay $0x3  }
0x37: {  	[smem:$0x3FBA] =	sst s10  }
0x38: {  	s10 =	sld [smem:$0x3FBB]  }
0x39: {  	_ = 	snop;
	(pc) =	sbr.ind lr, $3  }
0x3a: {  	_ = 	snop  }
0x3b: {  	_ = 	snop  }
0x3c: {  	p2 =	seq.s32 s10, $0x1;
	s10 =	sld [smem:$0x3FBA]  }
0x3d: {  	_ =	shalt  }
0x3e: {  	_ =	shalt  }
0x3f: {  	_ =	shalt  }
0x40: {  	_ =	shalt  }
0x41: {  	_ =	shalt  }
0x42: {  	_ =	shalt  }
0x43: {  	_ =	shalt  }
0x44: {  	_ =	shalt  }
0x45: {  	_ =	shalt  }
0x46: {  	_ =	shalt  }
0x47: {  	_ =	shalt  }
0x48: {  	_ =	shalt  }
0x49: {  	_ =	shalt  }
0x4a: {  	_ =	shalt  }
0x4b: {  	_ =	shalt  }
0x4c: {  	_ =	shalt  }
0x4d: {  	_ =	shalt  }
0x4e: {  	_ =	shalt  }
0x4f: {  	_ =	shalt  }
0x50: {  	_ =	shalt  }
0x51: {  	_ =	shalt  }
0x52: {  	_ =	shalt  }
0x53: {  	_ =	shalt  }
0x54: {  	_ =	shalt  }
0x55: {  	_ =	shalt  }
0x56: {  	_ =	shalt  }
0x57: {  	_ =	shalt  }
0x58: {  	_ =	shalt  }
0x59: {  	_ =	shalt  }
0x5a: {  	_ =	shalt  }
0x5b: {  	_ =	shalt  }
0x5c: {  	_ =	shalt  }
0x5d: {  	_ =	shalt  }
0x5e: {  	_ =	shalt  }
0x5f: {  	_ =	shalt  }
0x60: {  	_ =	shalt  }
0x61: {  	_ =	shalt  }
0x62: {  	_ =	shalt  }
0x63: {  	_ =	shalt  }
0x64: {  	_ =	shalt  }
0x65: {  	_ =	shalt  }
0x66: {  	_ =	shalt  }
0x67: {  	_ =	shalt  }
0x68: {  	_ =	shalt  }
0x69: {  	_ =	shalt  }
0x6a: {  	_ =	shalt  }
0x6b: {  	_ =	shalt  }
0x6c: {  	_ =	shalt  }
0x6d: {  	_ =	shalt  }
0x6e: {  	_ =	shalt  }
0x6f: {  	_ =	shalt  }
0x70: {  	_ =	shalt  }
0x71: {  	_ =	shalt  }
0x72: {  	_ =	shalt  }
0x73: {  	_ =	shalt  }
0x74: {  	_ =	shalt  }
0x75: {  	_ =	shalt  }
0x76: {  	_ =	shalt  }
0x77: {  	_ =	shalt  }
0x78: {  	_ =	shalt  }
0x79: {  	_ =	shalt  }
0x7a: {  	_ =	shalt  }
0x7b: {  	_ =	shalt  }
0x7c: {  	_ =	shalt  }
0x7d: {  	_ =	shalt  }
0x7e: {  	_ =	shalt  }
0x7f: {  	_ =	shalt  }
0x80: {  	_ =	shalt  }
0x81: {  	_ =	shalt  }
0x82: {  	_ =	shalt  }
0x83: {  	_ =	shalt  }
0x84: {  	_ =	shalt  }
0x85: {  	_ =	shalt  }
0x86: {  	_ =	shalt  }
0x87: {  	_ =	shalt  }
.Lfunc_end0:
.L_simem_size_0:
called_computation_lowered:
.L_overlay_start_0:
0x88: {  	s2 =	sld [smem:$0x3FD9]  }
0x89: {  	s3 =	sld [smem:$0x3FFE];
	_ =	sdelay $0x1  }
0x8a: {  	s1 =	srdreg.scid  }
0x8b: {  	s0 =	sand.u32 $0x1, s1  }
0x8c: {  	s18 =	sshll.u32 s0, $0xA;
	s2 =	sadd.s32 s3, s2  }
0x8d: {  	s2 =	sadd.s32 s2, s18  }
0x8e: {  	[smem:$0x3FC6] =	sst s2  }
0x8f: {  	_ = 	snop  }
0x90: {  	s2 =	sld [smem:$0x3FC9]  }
0x91: {  	s19 =	sld [smem:$0x3FC8]  }
0x92: {  	s4 =	sld [smem:$0x3FD0];
	(tm) =	ssettm $0x1  }
0x93: {  	s5 =	sld [smem:$0x3FFB];
	_ =	sdelay $0x3  }
0x94: {  	_ =	strace s5  }
0x95: {  	s5 =	sld [smem:$0x3FFC];
	_ =	sdelay $0x3  }
0x96: {  	_ =	strace s5  }
0x97: {  	s5 =	sld [smem:$0x3FFD];
	_ =	sdelay $0x3  }
0x98: {  	_ =	strace s5  }
0x99: {  	_ =	strace $0x8FFFFFFF  }
0x9a: {  	s20 =	sld [smem:$0x3FDB];
	_ =	sdelay $0x1  }
0x9b: {  	s6 =	simm.s32 $_scs_section_size  }
0x9c: {  	s7 =	simm.s32 $_size__tile_overlayer_lowered;
	s8 =	simm.s32 $_tile_overlayer_lowered  }
0x9d: {  	s23 =	simm.s32 $0x1BFF;
	s22 =	sshll.u32 s8, $0x1;
	s5 =	sadd.s32 s6, s20  }
0x9e: {  	s9 =	simm.s32 $0x0;
	s21 =	sshll.u32 s7, $0x1;
	s7 =	sadd.s32 s22, s5  }
0x9f: {  	[timem:s9], [sflag:s23] =	dma.local [hbm:s7], s21  }
0xa0: {  	_ =	swait.ge [sflag:s23], s21  }
0xa1: {  	s6 =	ssub.s32 $0x0, s21;
	[sflag:s23] =	ssyncset.done $0x0  }
0xa2: {  	[sflag:s23] =	ssyncadd.s32 s6;
	_ =	sdelay $0x1  }
0xa3: {  	s24 =	simm.s32 $0x1B8B  }
0xa4: {  	_ =	swait.ge [sflag:s24], $0x1  }
0xa5: {  	[sflag:s24] =	ssyncset.done $0x0  }
0xa6: {  	s25 =	simm.s32 $0x1B8E;
	[sflag:s24] =	ssyncadd.s32 $0xFFFFFFFF  }
0xa7: {  	s26 =	simm.s32 $execute0_lowered;
	[smem:$0x3FD2] =	sst s25  }
0xa8: {  	s6 =	sshll.u32 s26, $0x1;
	_ =	strace $0x80000046;
	[dreg:$0x1] =	wrdreg $0xFFFFFFFF  }
0xa9: {  	s28 =	simm.s32 $_size_execute0_lowered;
	s5 =	sadd.s32 s5, s6;
	[dreg:$0x0] =	wrdreg $0x0  }
0xaa: {  	s6 =	sshll.u32 s28, $0x1;
	[dreg:$0x2] =	wrdreg s5  }
0xab: {  	[dreg:$0x3] =	wrdreg s6  }
0xac: {  	[dreg:$0x4] =	wrdreg $0xC0  }
0xad: {  	_ =	task [dreg:s9], $0x5FFFF  }
0xae: {  	[dreg:$0x1] =	wrdreg $0xFFFFFFFF  }
0xaf: {  	[dreg:$0x0] =	wrdreg $0x60  }
0xb0: {  	[dreg:$0x2] =	wrdreg s2  }
0xb1: {  	[dreg:$0x3] =	wrdreg s19  }
0xb2: {  	[dreg:$0x4] =	wrdreg s4  }
0xb3: {  	[dreg:$0x5] =	wrdreg $0x9  }
0xb4: {  	_ =	task.clear_ibuf [dreg:s9], $0x6FFFF;
	_ =	strace $0x90000046  }
0xb5: {  	s29 =	simm.s32 $0x9;
	_ =	strace $0x80000048  }
0xb6: {  	_ =	swait.ge [sflag:s29], $0x1  }
0xb7: {  	[sflag:s29] =	ssyncadd.s32 $0xFFFFFFFF  }
0xb8: {  	_ =	strace $0x90000048  }
0xb9: {  	_ =	sfence  }
0xba: {  	s30 =	sld [smem:$0x0];
	_ =	sdelay $0x2  }
0xbb: {  	s31 =	sshll.u32 s1, $0xD;
	s1 =	sshrl.u32 s1, $0x2  }
0xbc: {  	s3 =	sand.u32 $0x4000, s31;
	s1 =	sadd.s32 s1, s30  }
0xbd: {  	s0 =	sor.u32 s3, s0;
	s1 =	sshll.u32 s1, $0x11  }
0xbe: {  	s0 =	sor.u32 s1, s0  }
0xbf: {  	s0 =	sadd.s32 $0x8F2B, s0  }
0xc0: {  	[sflag:s0] =	ssyncadd.remote.s32 $0x1  }
0xc1: {  	_ =	sfence.sel $0xFFFF  }
0xc2: {  	[dreg:$0x0] =	wrdreg $0xFFFFFFFF;
	(pc) =	sbr.abs _section_cstart, $3  }
0xc3: {  	[dreg:$0x1] =	wrdreg $0xFFFFFFFF  }
0xc4: {  	_ =	task.clear_ibuf [dreg:s9], $0x2FFFF;
	_ =	strace $0x9FFFFFFF  }
0xc5: {  	(tm) =	ssettm $0x7FFFFFFF  }
tec
execute0_lowered:
.L_overlay_start_1:
0x0: {  	(tag) =	ssettag $0x1  }
0x1: {  	s9 =	rddreg [dreg:$0x0]  }
0x2: {  	s2 =	rddreg [dreg:$0x1];
	s0 =	stileid.u32  }
0x3: {  	s26 =	rddreg [dreg:$0x2];
	s3 =	srdreg.scid;
	s4 =	sshll.u32 s0, $0x1  }
0x4: {  	s1 =	rddreg [dreg:$0x3];
	s29 =	sand.u32 $0x1, s3;
	s4 =	sand.u32 $0x6, s4  }
0x5: {  	s3 =	simm.s32 $0x0;
	s19 =	sshrl.u32 s0, $0x2;
	s20 =	sor.u32 s29, s4  }
0x6: {  	s6 =	sshll.u32 s19, $0x7;
	[smem:$0x7FF] =	sst s3;
	s4 =	sshll.u32 s20, $0xB  }
0x7: {  	_ =	strace $0x80000047;
	s5 =	sshll.u32 s20, $0x9;
	s4 =	sor.u32 s6, s4  }
0x8: {  	s21 =	sor.u32 $0x80, s5;
	s23 =	sor.u32 $0x100, s5;
	s25 =	sor.u32 $0x180, s5  }
0x9: {  	s4 =	sshrl.u32 s4, $0x3;
	s7 =	sshll.u32 s21, $0x2;
	s8 =	sshll.u32 s23, $0x2  }
0xa: {  	s30 =	sshll.u32 s25, $0x2;
	s4 =	sadd.s32 s9, s4;
	s7 =	sor.u32 s6, s7  }
0xb: {  	s24 =	sor.u32 s6, s8;
	s8 =	sor.u32 s6, s30;
	s7 =	sshrl.u32 s7, $0x3  }
0xc: {  	[tilespmem:s3], [sflag:$0x1] =	stream.linear.gather [hbm4b:s4+s3], $0x80, $0x38;
	[tilespmem:$0x10200] =	vst v63  }
0xd: {  	s6 =	simm.s32 $0x80;
	s5 =	sadd.s32 s9, s7;
	s7 =	sshrl.u32 s24, $0x3  }
0xe: {  	[tilespmem:s6], [sflag:$0x2] =	stream.linear.gather [hbm4b:s5+s3], $0x80, $0x38;
	[tilespmem:$0x10200] =	vst v63  }
0xf: {  	s10 =	sshrl.u32 s8, $0x3;
	s8 =	simm.s32 $0x100;
	s7 =	sadd.s32 s9, s7  }
0x10: {  	[tilespmem:s8], [sflag:$0x3] =	stream.linear.gather [hbm4b:s7+s3], $0x80, $0x38;
	[tilespmem:$0x10200] =	vst v63  }
0x11: {  	s11 =	simm.s32 $0x1;
	s9 =	sadd.s32 s9, s10;
	s10 =	simm.s32 $0x180  }
0x12: {  	[tilespmem:s10], [sflag:$0x4] =	stream.linear.gather [hbm4b:s9+s3], $0x80, $0x38;
	[tilespmem:$0x10200] =	vst v63  }
0x13: {  	_ =	swait.ge [sflag:s11], $0x80  }
0x14: {  	[sflag:s11] =	ssyncset.done $0x0  }
0x15: {  	s12 =	simm.s32 $0x200;
	s13 =	simm.s32 $0x2;
	[sflag:s11] =	ssyncadd.s32 $0xFFFFFF80  }
0x16: {  	[tilespmem:s12], [sflag:$0x5] =	stream.indirect.gather [hbm4b:s2+s6], $0x80, s3, s6, $0xb8;
	[tilespmem:$0x10200] =	vst v63  }
0x17: {  	_ =	swait.ge [sflag:s13], $0x80  }
0x18: {  	[sflag:s13] =	ssyncset.done $0x0  }
0x19: {  	s14 =	simm.s32 $0x4200;
	s15 =	simm.s32 $0x3;
	[sflag:s13] =	ssyncadd.s32 $0xFFFFFF80  }
0x1a: {  	[tilespmem:s14], [sflag:$0x6] =	stream.indirect.gather [hbm4b:s2+s6], $0x80, s6, s6, $0xb8;
	[tilespmem:$0x10200] =	vst v63  }
0x1b: {  	_ =	swait.ge [sflag:s15], $0x80  }
0x1c: {  	[sflag:s15] =	ssyncset.done $0x0  }
0x1d: {  	s16 =	simm.s32 $0x8200;
	s17 =	simm.s32 $0x4;
	[sflag:s15] =	ssyncadd.s32 $0xFFFFFF80  }
0x1e: {  	[tilespmem:s16], [sflag:$0x7] =	stream.indirect.gather [hbm4b:s2+s6], $0x80, s8, s6, $0xb8;
	[tilespmem:$0x10200] =	vst v63  }
0x1f: {  	s18 =	simm.s32 $0xC200;
	_ =	swait.ge [sflag:s17], $0x80  }
0x20: {  	s28 =	sshll.u32 s19, $0x13;
	s20 =	sshll.u32 s20, $0x10;
	[sflag:s17] =	ssyncset.done $0x0  }
0x21: {  	s19 =	simm.s32 $0x5;
	s20 =	sor.u32 s28, s20;
	[sflag:s17] =	ssyncadd.s32 $0xFFFFFF80  }
0x22: {  	[tilespmem:s18], [sflag:$0x8] =	stream.indirect.gather [hbm4b:s2+s6], $0x80, s10, s6, $0xb8;
	[tilespmem:$0x10200] =	vst v63  }
0x23: {  	s20 =	sshrl.u32 s20, $0x3;
	_ =	swait.ge [sflag:s19], $0x4000  }
0x24: {  	s22 =	sshll.u32 s21, $0x7;
	s21 =	simm.s32 $0x6;
	[sflag:s19] =	ssyncset.done $0x0  }
0x25: {  	s20 =	sadd.s32 s26, s20;
	s22 =	sor.u32 s28, s22;
	[sflag:s19] =	ssyncadd.s32 $0xFFFFC000  }
0x26: {  	[hbm4b:s20+s3] =	stream.linear.scatter [tilespmem:s12], [sflag:$0x9], $0x4000, $0x38;
	[tilespmem:$0x10200] =	vst v63  }
0x27: {  	s22 =	sshrl.u32 s22, $0x3;
	_ =	swait.ge [sflag:s21], $0x4000  }
0x28: {  	s22 =	sadd.s32 s26, s22;
	[sflag:s21] =	ssyncset.done $0x0  }
0x29: {  	s24 =	sshll.u32 s23, $0x7;
	s23 =	simm.s32 $0x7;
	[sflag:s21] =	ssyncadd.s32 $0xFFFFC000  }
0x2a: {  	[hbm4b:s22+s3] =	stream.linear.scatter [tilespmem:s14], [sflag:$0x9], $0x4000, $0x38;
	[tilespmem:$0x10200] =	vst v63  }
0x2b: {  	s24 =	sor.u32 s28, s24;
	_ =	swait.ge [sflag:s23], $0x4000  }
0x2c: {  	s30 =	sshll.u32 s25, $0x7;
	s24 =	sshrl.u32 s24, $0x3;
	[sflag:s23] =	ssyncset.done $0x0  }
0x2d: {  	s25 =	simm.s32 $0x8;
	s24 =	sadd.s32 s26, s24;
	[sflag:s23] =	ssyncadd.s32 $0xFFFFC000  }
0x2e: {  	[hbm4b:s24+s3] =	stream.linear.scatter [tilespmem:s16], [sflag:$0x9], $0x4000, $0x38;
	[tilespmem:$0x10200] =	vst v63  }
0x2f: {  	s28 =	sor.u32 s28, s30;
	_ =	swait.ge [sflag:s25], $0x4000  }
0x30: {  	s28 =	sshrl.u32 s28, $0x3;
	[sflag:s25] =	ssyncset.done $0x0  }
0x31: {  	s26 =	sadd.s32 s26, s28;
	s28 =	simm.s32 $0x9;
	[sflag:s25] =	ssyncadd.s32 $0xFFFFC000  }
0x32: {  	[hbm4b:s26+s3] =	stream.linear.scatter [tilespmem:s18], [sflag:$0x9], $0x4000, $0x38;
	[tilespmem:$0x10200] =	vst v63  }
0x33: {  	_ =	swait.ge [sflag:s28], $0x4000  }
0x34: {  	s29 =	ssub.s32 $0x2, s29;
	[sflag:s28] =	ssyncset.done $0x0  }
0x35: {  	s31 =	sshrl.u32 s29, $0x1;
	[sflag:s28] =	ssyncadd.s32 $0xFFFFC000  }
0x36: {  	s29 =	ssub.s32 s29, s31;
	_ =	swait.ge [sflag:s28], $0x4000  }
0x37: {  	s29 =	smax.u32 s29, $0x1;
	[sflag:s28] =	ssyncset.done $0x0  }
0x38: {  	p0 =	sne.s32 s29, $0x1;
	[sflag:s28] =	ssyncadd.s32 $0xFFFFC000  }
.Ltmp0:
0x39: {  	_ =	swait.ge [sflag:s28], $0x4000;
	(pc) =	sbr.rel @!p0 .LBB2_2-.Ltmp0, $4  }
0x3a: {  	[sflag:s28] =	ssyncset.done $0x0  }
0x3b: {  	[sflag:s28] =	ssyncadd.s32 $0xFFFFC000  }
0x3c: {  	_ =	swait.ge [sflag:s28], $0x4000  }
0x3d: {  	s29 =	sadd.s32 $0xFFFFFFFF, s29;
	[sflag:s28] =	ssyncset.done $0x0  }
.LBB2_1:
0x3e: {  	p0 =	sne.s32 s29, $0x1;
	s29 =	sadd.s32 $0xFFFFFFFF, s29;
	[sflag:s28] =	ssyncadd.s32 $0xFFFFC000  }
0x3f: {  	[tilespmem:s3], [sflag:$0x1] =	stream.linear.gather [hbm4b:s4+s3], $0x80, $0x38;
	[tilespmem:$0x10200] =	vst v63  }
0x40: {  	_ = 	snop  }
0x41: {  	[tilespmem:s6], [sflag:$0x2] =	stream.linear.gather [hbm4b:s5+s3], $0x80, $0x38;
	[tilespmem:$0x10200] =	vst v63  }
0x42: {  	_ = 	snop  }
0x43: {  	[tilespmem:s8], [sflag:$0x3] =	stream.linear.gather [hbm4b:s7+s3], $0x80, $0x38;
	[tilespmem:$0x10200] =	vst v63  }
0x44: {  	_ = 	snop  }
0x45: {  	[tilespmem:s10], [sflag:$0x4] =	stream.linear.gather [hbm4b:s9+s3], $0x80, $0x38;
	[tilespmem:$0x10200] =	vst v63  }
0x46: {  	_ =	swait.ge [sflag:s11], $0x80  }
0x47: {  	[sflag:s11] =	ssyncset.done $0x0  }
0x48: {  	[sflag:s11] =	ssyncadd.s32 $0xFFFFFF80  }
0x49: {  	[tilespmem:s12], [sflag:$0x5] =	stream.indirect.gather [hbm4b:s2+s6], $0x80, s3, s6, $0xb8;
	[tilespmem:$0x10200] =	vst v63  }
0x4a: {  	_ =	swait.ge [sflag:s13], $0x80  }
0x4b: {  	[sflag:s13] =	ssyncset.done $0x0  }
0x4c: {  	[sflag:s13] =	ssyncadd.s32 $0xFFFFFF80  }
0x4d: {  	[tilespmem:s14], [sflag:$0x6] =	stream.indirect.gather [hbm4b:s2+s6], $0x80, s6, s6, $0xb8;
	[tilespmem:$0x10200] =	vst v63  }
0x4e: {  	_ =	swait.ge [sflag:s15], $0x80  }
0x4f: {  	[sflag:s15] =	ssyncset.done $0x0  }
0x50: {  	[sflag:s15] =	ssyncadd.s32 $0xFFFFFF80  }
0x51: {  	[tilespmem:s16], [sflag:$0x7] =	stream.indirect.gather [hbm4b:s2+s6], $0x80, s8, s6, $0xb8;
	[tilespmem:$0x10200] =	vst v63  }
0x52: {  	_ =	swait.ge [sflag:s17], $0x80  }
0x53: {  	[sflag:s17] =	ssyncset.done $0x0  }
0x54: {  	[sflag:s17] =	ssyncadd.s32 $0xFFFFFF80  }
0x55: {  	[tilespmem:s18], [sflag:$0x8] =	stream.indirect.gather [hbm4b:s2+s6], $0x80, s10, s6, $0xb8;
	[tilespmem:$0x10200] =	vst v63  }
0x56: {  	_ =	swait.ge [sflag:s19], $0x4000  }
0x57: {  	[sflag:s19] =	ssyncset.done $0x0  }
0x58: {  	[sflag:s19] =	ssyncadd.s32 $0xFFFFC000  }
0x59: {  	[hbm4b:s20+s3] =	stream.linear.scatter [tilespmem:s12], [sflag:$0x9], $0x4000, $0x38;
	[tilespmem:$0x10200] =	vst v63  }
0x5a: {  	_ =	swait.ge [sflag:s21], $0x4000  }
0x5b: {  	[sflag:s21] =	ssyncset.done $0x0  }
0x5c: {  	[sflag:s21] =	ssyncadd.s32 $0xFFFFC000  }
0x5d: {  	[hbm4b:s22+s3] =	stream.linear.scatter [tilespmem:s14], [sflag:$0x9], $0x4000, $0x38;
	[tilespmem:$0x10200] =	vst v63  }
0x5e: {  	_ =	swait.ge [sflag:s23], $0x4000  }
0x5f: {  	[sflag:s23] =	ssyncset.done $0x0  }
0x60: {  	[sflag:s23] =	ssyncadd.s32 $0xFFFFC000  }
0x61: {  	[hbm4b:s24+s3] =	stream.linear.scatter [tilespmem:s16], [sflag:$0x9], $0x4000, $0x38;
	[tilespmem:$0x10200] =	vst v63  }
0x62: {  	_ =	swait.ge [sflag:s25], $0x4000  }
0x63: {  	[sflag:s25] =	ssyncset.done $0x0  }
0x64: {  	[sflag:s25] =	ssyncadd.s32 $0xFFFFC000  }
0x65: {  	[hbm4b:s26+s3] =	stream.linear.scatter [tilespmem:s18], [sflag:$0x9], $0x4000, $0x38;
	[tilespmem:$0x10200] =	vst v63  }
0x66: {  	_ =	swait.ge [sflag:s28], $0x4000  }
0x67: {  	[sflag:s28] =	ssyncset.done $0x0  }
0x68: {  	[sflag:s28] =	ssyncadd.s32 $0xFFFFC000  }
0x69: {  	_ =	swait.ge [sflag:s28], $0x4000  }
0x6a: {  	[sflag:s28] =	ssyncset.done $0x0  }
0x6b: {  	[sflag:s28] =	ssyncadd.s32 $0xFFFFC000  }
.Ltmp1:
0x6c: {  	_ =	swait.ge [sflag:s28], $0x4000;
	(pc) =	sbr.rel @p0 .LBB2_1-.Ltmp1, $4  }
0x6d: {  	[sflag:s28] =	ssyncset.done $0x0  }
0x6e: {  	[sflag:s28] =	ssyncadd.s32 $0xFFFFC000  }
0x6f: {  	_ =	swait.ge [sflag:s28], $0x4000  }
0x70: {  	[sflag:s28] =	ssyncset.done $0x0  }
.LBB2_2:
0x71: {  	[sflag:s28] =	ssyncadd.s32 $0xFFFFC000  }
0x72: {  	_ =	sfence.sel $0x180000  }
0x73: {  	[bflag:$0x0] =	sbarrier.arrive $0xFFFF  }
0x74: {  	p0 =	sne.s32 s0, $0x0;
	_ =	strace $0x90000047  }
0x75: {  	s0 =	sadd.s32 @!p0 $0x100000, s1;
	[bflag:$0x2] =	sbarrier.arrive $0xFFFF  }
0x76: {  	[sflag:s0] =	ssyncadd.tile.s32 @!p0 $0x1;
	_ =	shalt  }
.Lfunc_end2:
_tile_overlayer_lowered:
.L_overlay_start_2:
0x77: {  	(tag) =	ssettag $0x2  }
0x78: {  	s0 =	rddreg [dreg:$0x0];
	s2 =	stileid.u32  }
0x79: {  	s1 =	rddreg [dreg:$0x1];
	p0 =	sne.s32 s2, $0x0  }
0x7a: {  	s3 =	rddreg [dreg:$0x2];
	[bflag:$0x3] =	sbarrier.arrive $0xFFFF;
	s2 =	simm.s32 @!p0 $0x1C0A  }
0x7b: {  	[timem:s3], [sflag:s2] =	dma.local @!p0 [hbm:s0], s1  }
0x7c: {  	s0 =	simm.s32 @!p0 $0xA  }
0x7d: {  	_ =	swait.ge @!p0 [sflag:s0], s1  }
0x7e: {  	s1 =	ssub.s32 @!p0 $0x0, s1;
	[sflag:s0] =	ssyncset.done @!p0 $0x0  }
0x7f: {  	[sflag:s0] =	ssyncadd.s32 @!p0 s1  }
0x80: {  	[bflag:$0x3] =	sbarrier.arrive $0xFFFF  }
0x81: {  	_ =	shalt  }

</sc_bundles>
